<compile_context>
chip_gen: v7x
topology: tpu7x:2x2x1
jax: 0.10.2.dev20260603
libtpu: 0.0.44.dev20260713+nightly
codegen_flags: <defaults>
</compile_context>

<pallas_src>
import functools

import jax
import jax.numpy as jnp
from jax import lax
from jax.experimental import pallas as pl
from jax.experimental.pallas import tpu as pltpu
from jax.experimental.pallas import tpu_sc as plsc

B = 128
V = 100000
TOPK_K = 5
SUBL = 8
LANE = 128
CHUNK = 8192
NSTEPS = -(-V // CHUNK)
SC_CORES = 2


def _sc_gather(pred, tcol):
    mesh = plsc.ScalarSubcoreMesh(axis_name="c", num_cores=SC_CORES)
    half = B // SC_CORES

    @functools.partial(
        pl.kernel,
        mesh=mesh,
        out_type=jax.ShapeDtypeStruct((B, SUBL, LANE), jnp.float32),
        scratch_types=[
            pltpu.SMEM((B,), jnp.int32),
            pltpu.SemaphoreType.DMA,
        ],
    )
    def k(p_hbm, s_hbm, o_hbm, s_smem, sem):
        cid = lax.axis_index("c")
        base = cid * half
        pltpu.async_copy(s_hbm, s_smem, sem).wait()

        @pl.loop(0, half)
        def _(i):
            r = base + i
            r8 = pl.multiple_of(r - r % SUBL, SUBL)
            s = pl.multiple_of(s_smem[r], LANE)
            pltpu.make_async_copy(
                p_hbm.at[pl.ds(r8, SUBL), pl.ds(s, LANE)],
                o_hbm.at[r], sem).start()

        @pl.loop(0, half)
        def _(i):
            r = base + i
            r8 = pl.multiple_of(r - r % SUBL, SUBL)
            s = pl.multiple_of(s_smem[r], LANE)
            pltpu.make_async_copy(
                p_hbm.at[pl.ds(r8, SUBL), pl.ds(s, LANE)],
                o_hbm.at[r], sem).wait()

    return k(pred, tcol)


def _count_body(t_ref, g_ref, c_ref, p_ref, o_ref, v_ref, acc_ref):
    step = pl.program_id(0)

    @pl.when(step == 0)
    def _():
        rowid = lax.broadcasted_iota(jnp.int32, (B, SUBL, LANE), 0)
        subl = lax.broadcasted_iota(jnp.int32, (B, SUBL, LANE), 1)
        sel_sub = subl == rowid % SUBL
        picked = jnp.sum(jnp.where(sel_sub, g_ref[...], 0.0), axis=1)
        lane = lax.broadcasted_iota(jnp.int32, (B, LANE), 1)
        v_ref[...] = jnp.sum(jnp.where(lane == c_ref[...], picked, 0.0),
                             axis=1, keepdims=True)
        acc_ref[...] = jnp.zeros_like(acc_ref)

    p = p_ref[...]
    v = v_ref[...]
    lane = lax.broadcasted_iota(jnp.int32, (B, CHUNK), 1)
    tb = t_ref[...] - step * CHUNK
    outranks = (p > v) | ((p == v) & (lane < tb))

    @pl.when(step < NSTEPS - 1)
    def _():
        acc_ref[...] += outranks.astype(jnp.float32)

    @pl.when(step == NSTEPS - 1)
    def _():
        valid = lane < (V - (NSTEPS - 1) * CHUNK)
        acc = acc_ref[...] + (outranks & valid).astype(jnp.float32)
        rank = jnp.sum(acc, axis=1, keepdims=True)
        hits = jnp.sum((rank < float(TOPK_K)).astype(jnp.float32),
                       axis=0, keepdims=True)
        o_ref[...] = hits * (100.0 / B)


def _count(prediction, t, g, c):
    return pl.pallas_call(
        _count_body,
        grid=(NSTEPS,),
        in_specs=[
            pl.BlockSpec((B, 1), lambda i: (0, 0)),
            pl.BlockSpec((B, SUBL, LANE), lambda i: (0, 0, 0)),
            pl.BlockSpec((B, 1), lambda i: (0, 0)),
            pl.BlockSpec((B, CHUNK), lambda i: (0, i)),
        ],
        out_specs=pl.BlockSpec((1, 1), lambda i: (0, 0)),
        out_shape=jax.ShapeDtypeStruct((1, 1), jnp.float32),
        scratch_shapes=[
            pltpu.VMEM((B, 1), jnp.float32),
            pltpu.VMEM((B, CHUNK), jnp.float32),
        ],
    )(t, g, c, prediction)


def kernel(prediction, target):
    target = target.astype(jnp.int32)
    t = target.reshape(B, 1)
    tcol = (target // LANE * LANE).astype(jnp.int32)
    lanes = (target % LANE).reshape(B, 1)
    g = _sc_gather(prediction, tcol)
    res = _count(prediction, t, g, lanes)
    return res[0, 0]

# --- scband reference (transcript-rebuilt; emitter-appended) ---
"""Pipeline reference for scband-accuracy-28484223107934 (READ-ONLY COPY).

The authoritative reference and input builder live on the scoring server;
editing this copy changes nothing except your own understanding.
"""

import jax, jax.numpy as jnp
import numpy as np

TOPK = 5

def setup_inputs(seed: int = 0) -> dict:
    key = jax.random.key(seed)
    k1, k2 = jax.random.split(key)
    prediction = jax.random.normal(k1, (128, 100000), dtype=jnp.float32)
    target = jax.random.randint(k2, (128,), 0, 100000)
    return {"prediction": prediction, "target": target}

def reference(prediction, target):
    batch_size = target.shape[0]
    _, pred = jax.lax.top_k(prediction, TOPK)  # values, indices -> indices [B, k]
    pred = pred.T  # [k, B]
    correct = (pred == target.reshape(1, -1))  # broadcast [k, B]
    correct_k = correct.reshape(-1).astype(jnp.float32).sum()
    return correct_k * (100.0 / batch_size)

if __name__ == "__main__":
    import jax
    _d = setup_inputs()
    print(jax.jit(kernel)(*tuple(_d.values())))

</pallas_src>

<mosaic_0001>
#map = affine_map<(d0) -> (0, 0)>
#map1 = affine_map<(d0) -> (0)>
#map2 = affine_map<(d0) -> (0, 0, 0)>
module attributes {stable_mosaic.version = 14 : i64} {
  func.func @k(%arg0: i32, %arg1: memref<128x100000xf32, #tpu.memory_space<hbm>>, %arg2: memref<128xi32, #tpu.memory_space<hbm>>, %arg3: memref<128x8x128xf32, #tpu.memory_space<hbm>>, %arg4: memref<128xi32, #tpu.memory_space<smem>>, %arg5: memref<!tpu.dma_semaphore, #tpu.memory_space<semaphore_mem>>) attributes {dimension_semantics = [#tpu.dimension_semantics<core_parallel>], iteration_bounds = array<i64: 2>, scalar_prefetch = 0 : i64, scratch_operands = 2 : i64, tpu.core_type = #tpu.core_type<sc_scalar_subcore>, window_params = [{transform_indices = #map}, {transform_indices = #map1}, {transform_indices = #map2}]} {
    %mul3A = arith.constant 64 : i32
    %mul3A_0 = arith.muli %arg0, %mul3A : i32
    tpu.enqueue_dma source(%arg2 : memref<128xi32, #tpu.memory_space<hbm>>) target(%arg4 : memref<128xi32, #tpu.memory_space<smem>>) target_semaphore(%arg5 : memref<!tpu.dma_semaphore, #tpu.memory_space<semaphore_mem>>)
    tpu.wait_dma2 semaphore(%arg5 : memref<!tpu.dma_semaphore, #tpu.memory_space<semaphore_mem>>) src(%arg2 : memref<128xi32, #tpu.memory_space<hbm>>) dst(%arg4 : memref<128xi32, #tpu.memory_space<smem>>)
    %scan3A = arith.constant 0 : i32
    %scan3A_1 = arith.constant 64 : i32
    %scan3A_2 = arith.addi %scan3A, %scan3A_1 : i32
    %scan3A_3 = arith.constant 1 : i32
    scf.for %scan3A_10 = %scan3A to %scan3A_2 step %scan3A_3  : i32 {
      %mul3A_11 = arith.constant 1 : i32
      %mul3A_12 = arith.muli %scan3A_10, %mul3A_11 : i32
      %add3A = arith.constant 0 : i32
      %add3A_13 = arith.addi %add3A, %mul3A_12 : i32
      %add3A_14 = arith.addi %mul3A_0, %add3A_13 : i32
      %jit3A = arith.constant 8 : i32
      %eq3A = arith.constant 0 : i32
      %eq3A_15 = arith.cmpi eq, %jit3A, %eq3A : i32
      %jit3A_16 = arith.constant 1 : i32
      %select_n3A = arith.select %eq3A_15, %jit3A_16, %jit3A : i32
      %rem3A = arith.remsi %add3A_14, %select_n3A : i32
      %ne3A = arith.constant 0 : i32
      %ne3A_17 = arith.cmpi ne, %rem3A, %ne3A : i32
      %lt3A = arith.constant 0 : i32
      %lt3A_18 = arith.cmpi slt, %rem3A, %lt3A : i32
      %lt3A_19 = arith.constant 0 : i32
      %lt3A_20 = arith.cmpi slt, %select_n3A, %lt3A_19 : i32
      %ne3A_21 = arith.xori %lt3A_18, %lt3A_20 : i1
      %and3A = arith.andi %ne3A_21, %ne3A_17 : i1
      %add3A_22 = arith.addi %rem3A, %select_n3A : i32
      %select_n3A_23 = arith.select %and3A, %add3A_22, %rem3A : i32
      %sub3A = arith.subi %add3A_14, %select_n3A_23 : i32
      %multiple_of3A = tpu.assume_multiple %sub3A, 8 : i32
      %get3A = arith.index_cast %add3A_14 : i32 to index
      %get3A_24 = memref.load %arg4[%get3A] : memref<128xi32, #tpu.memory_space<smem>>
      %multiple_of3A_25 = tpu.assume_multiple %get3A_24, 128 : i32
      %dma_start3A = arith.constant 0 : i32
      %dma_start3A_26 = arith.constant 0 : i32
      %dma_start3A_27 = tpu.memref_slice %arg3[%add3A_14, %dma_start3A, %dma_start3A_26] : memref<128x8x128xf32, #tpu.memory_space<hbm>> -> memref<1x8x128xf32, #tpu.memory_space<hbm>>
      %dma_start3A_28 = tpu.memref_squeeze %dma_start3A_27 : memref<1x8x128xf32, #tpu.memory_space<hbm>> -> memref<8x128xf32, #tpu.memory_space<hbm>>
      %dma_start3A_29 = tpu.memref_slice %arg1[%multiple_of3A, %multiple_of3A_25] : memref<128x100000xf32, #tpu.memory_space<hbm>> -> memref<8x128xf32, #tpu.memory_space<hbm>>
      tpu.enqueue_dma source(%dma_start3A_29 : memref<8x128xf32, #tpu.memory_space<hbm>>) target(%dma_start3A_28 : memref<8x128xf32, #tpu.memory_space<hbm>>) target_semaphore(%arg5 : memref<!tpu.dma_semaphore, #tpu.memory_space<semaphore_mem>>)
    }
    %scan3A_4 = arith.constant 64 : i32
    %scan3A_5 = arith.constant 0 : i32
    %scan3A_6 = arith.constant 64 : i32
    %scan3A_7 = arith.addi %scan3A_5, %scan3A_6 : i32
    %scan3A_8 = arith.constant 1 : i32
    scf.for %scan3A_10 = %scan3A_5 to %scan3A_7 step %scan3A_8  : i32 {
      %mul3A_11 = arith.constant 1 : i32
      %mul3A_12 = arith.muli %scan3A_10, %mul3A_11 : i32
      %add3A = arith.constant 0 : i32
      %add3A_13 = arith.addi %add3A, %mul3A_12 : i32
      %add3A_14 = arith.addi %mul3A_0, %add3A_13 : i32
      %jit3A = arith.constant 8 : i32
      %eq3A = arith.constant 0 : i32
      %eq3A_15 = arith.cmpi eq, %jit3A, %eq3A : i32
      %jit3A_16 = arith.constant 1 : i32
      %select_n3A = arith.select %eq3A_15, %jit3A_16, %jit3A : i32
      %rem3A = arith.remsi %add3A_14, %select_n3A : i32
      %ne3A = arith.constant 0 : i32
      %ne3A_17 = arith.cmpi ne, %rem3A, %ne3A : i32
      %lt3A = arith.constant 0 : i32
      %lt3A_18 = arith.cmpi slt, %rem3A, %lt3A : i32
      %lt3A_19 = arith.constant 0 : i32
      %lt3A_20 = arith.cmpi slt, %select_n3A, %lt3A_19 : i32
      %ne3A_21 = arith.xori %lt3A_18, %lt3A_20 : i1
      %and3A = arith.andi %ne3A_21, %ne3A_17 : i1
      %add3A_22 = arith.addi %rem3A, %select_n3A : i32
      %select_n3A_23 = arith.select %and3A, %add3A_22, %rem3A : i32
      %sub3A = arith.subi %add3A_14, %select_n3A_23 : i32
      %multiple_of3A = tpu.assume_multiple %sub3A, 8 : i32
      %get3A = arith.index_cast %add3A_14 : i32 to index
      %get3A_24 = memref.load %arg4[%get3A] : memref<128xi32, #tpu.memory_space<smem>>
      %multiple_of3A_25 = tpu.assume_multiple %get3A_24, 128 : i32
      %dma_wait3A = arith.constant 0 : i32
      %dma_wait3A_26 = arith.constant 0 : i32
      %dma_wait3A_27 = tpu.memref_slice %arg3[%add3A_14, %dma_wait3A, %dma_wait3A_26] : memref<128x8x128xf32, #tpu.memory_space<hbm>> -> memref<1x8x128xf32, #tpu.memory_space<hbm>>
      %dma_wait3A_28 = tpu.memref_squeeze %dma_wait3A_27 : memref<1x8x128xf32, #tpu.memory_space<hbm>> -> memref<8x128xf32, #tpu.memory_space<hbm>>
      %dma_wait3A_29 = tpu.memref_slice %arg1[%multiple_of3A, %multiple_of3A_25] : memref<128x100000xf32, #tpu.memory_space<hbm>> -> memref<8x128xf32, #tpu.memory_space<hbm>>
      tpu.wait_dma2 semaphore(%arg5 : memref<!tpu.dma_semaphore, #tpu.memory_space<semaphore_mem>>) src(%dma_wait3A_29 : memref<8x128xf32, #tpu.memory_space<hbm>>) dst(%dma_wait3A_28 : memref<8x128xf32, #tpu.memory_space<hbm>>)
    }
    %scan3A_9 = arith.constant 64 : i32
    return
  }
}

module attributes {stable_mosaic.version = 14 : i64} {
  func.func @_count_body(%arg0: i32, %arg1: memref<128x1xi32, #tpu.memory_space<vmem>>, %arg2: memref<128x8x128xf32, #tpu.memory_space<vmem>>, %arg3: memref<128x1xi32, #tpu.memory_space<vmem>>, %arg4: memref<128x8192xf32, #tpu.memory_space<vmem>>, %arg5: memref<1x1xf32, #tpu.memory_space<vmem>>, %arg6: memref<128x1xf32, #tpu.memory_space<vmem>>, %arg7: memref<128x8192xf32, #tpu.memory_space<vmem>>) attributes {dimension_semantics = [#tpu.dimension_semantics<arbitrary>], iteration_bounds = array<i64: 13>, scalar_prefetch = 0 : i64, scratch_operands = 2 : i64, tpu.core_type = #tpu.core_type<tc>, window_params = [{pipeline_mode = #tpu.pipeline_mode<synchronous>, transform_indices = @transform_0, window_bounds = array<i64: 128, 1>}, {pipeline_mode = #tpu.pipeline_mode<synchronous>, transform_indices = @transform_1, window_bounds = array<i64: 128, 8, 128>}, {pipeline_mode = #tpu.pipeline_mode<synchronous>, transform_indices = @transform_2, window_bounds = array<i64: 128, 1>}, {transform_indices = @transform_3, window_bounds = array<i64: 128, 8192>}, {pipeline_mode = #tpu.pipeline_mode<synchronous>, transform_indices = @transform_4, window_bounds = array<i64: 1, 1>}]} {
    %eq3A = arith.constant 0 : i32
    %eq3A_0 = arith.cmpi eq, %arg0, %eq3A : i32
    %convert_element_type3A = arith.extui %eq3A_0 : i1 to i32
    %cond3A = arith.constant 0 : i32
    %cond3A_1 = arith.cmpi ne, %convert_element_type3A, %cond3A : i32
    scf.if %cond3A_1 {
      %iota3A_26 = tpu.iota {dimensions = array<i32: 0>} : vector<128x8x128xi32>
      %iota3A_27 = tpu.iota {dimensions = array<i32: 1>} : vector<128x8x128xi32>
      %jit3A = arith.constant 8 : i32
      %eq3A_28 = arith.constant 0 : i32
      %eq3A_29 = arith.cmpi eq, %jit3A, %eq3A_28 : i32
      %jit3A_30 = arith.constant 1 : i32
      %select_n3A = arith.select %eq3A_29, %jit3A_30, %jit3A : i32
      %rem3A = vector.broadcast %select_n3A : i32 to vector<128x8x128xi32>
      %rem3A_31 = arith.remsi %iota3A_26, %rem3A : vector<128x8x128xi32>
      %ne3A = arith.constant 0 : i32
      %ne3A_32 = vector.broadcast %ne3A : i32 to vector<128x8x128xi32>
      %ne3A_33 = arith.cmpi ne, %rem3A_31, %ne3A_32 : vector<128x8x128xi32>
      %lt3A_34 = arith.constant 0 : i32
      %lt3A_35 = vector.broadcast %lt3A_34 : i32 to vector<128x8x128xi32>
      %lt3A_36 = arith.cmpi slt, %rem3A_31, %lt3A_35 : vector<128x8x128xi32>
      %lt3A_37 = arith.constant 0 : i32
      %lt3A_38 = arith.cmpi slt, %select_n3A, %lt3A_37 : i32
      %ne3A_39 = vector.broadcast %lt3A_38 : i1 to vector<128x8x128xi1>
      %ne3A_40 = vector.broadcast %ne3A_39 : vector<128x8x128xi1> to vector<128x8x128xi1>
      %ne3A_41 = arith.xori %lt3A_36, %ne3A_40 : vector<128x8x128xi1>
      %and3A_42 = arith.andi %ne3A_41, %ne3A_33 : vector<128x8x128xi1>
      %add3A = vector.broadcast %select_n3A : i32 to vector<128x8x128xi32>
      %add3A_43 = arith.addi %rem3A_31, %add3A : vector<128x8x128xi32>
      %select_n3A_44 = arith.select %and3A_42, %add3A_43, %rem3A_31 : vector<128x8x128xi1>, vector<128x8x128xi32>
      %eq3A_45 = arith.cmpi eq, %iota3A_27, %select_n3A_44 : vector<128x8x128xi32>
      %get3A_46 = arith.constant 0 : index
      %get3A_47 = arith.constant 0 : index
      %get3A_48 = arith.constant 0 : index
      %get3A_49 = vector.load %arg2[%get3A_46, %get3A_47, %get3A_48] : memref<128x8x128xf32, #tpu.memory_space<vmem>>, vector<128x8x128xf32>
      %jit3A_50 = arith.constant 0.000000e+00 : f32
      %broadcast_in_dim3A = vector.broadcast %jit3A_50 : f32 to vector<128x8x128xf32>
      %select_n3A_51 = arith.select %eq3A_45, %get3A_49, %broadcast_in_dim3A : vector<128x8x128xi1>, vector<128x8x128xf32>
      %reduce_sum3A = arith.constant dense<0.000000e+00> : vector<128x128xf32>
      %reduce_sum3A_52 = vector.multi_reduction <add>, %select_n3A_51, %reduce_sum3A [1] : vector<128x8x128xf32> to vector<128x128xf32>
      %iota3A_53 = tpu.iota {dimensions = array<i32: 1>} : vector<128x128xi32>
      %get3A_54 = arith.constant 0 : index
      %get3A_55 = arith.constant 0 : index
      %get3A_56 = vector.load %arg3[%get3A_54, %get3A_55] : memref<128x1xi32, #tpu.memory_space<vmem>>, vector<128x1xi32>
      %eq3A_57 = vector.broadcast %get3A_56 : vector<128x1xi32> to vector<128x128xi32>
      %eq3A_58 = arith.cmpi eq, %iota3A_53, %eq3A_57 : vector<128x128xi32>
      %jit3A_59 = arith.constant 0.000000e+00 : f32
      %broadcast_in_dim3A_60 = vector.broadcast %jit3A_59 : f32 to vector<128x128xf32>
      %select_n3A_61 = arith.select %eq3A_58, %reduce_sum3A_52, %broadcast_in_dim3A_60 : vector<128x128xi1>, vector<128x128xf32>
      %reduce_sum3A_62 = arith.constant dense<0.000000e+00> : vector<128xf32>
      %reduce_sum3A_63 = vector.multi_reduction <add>, %select_n3A_61, %reduce_sum3A_62 [1] : vector<128x128xf32> to vector<128xf32>
      %broadcast_in_dim3A_64 = vector.shape_cast %reduce_sum3A_63 : vector<128xf32> to vector<128x1xf32>
      %swap3A = arith.constant 0 : index
      %swap3A_65 = arith.constant 0 : index
      %swap3A_66 = vector.load %arg6[%swap3A, %swap3A_65] : memref<128x1xf32, #tpu.memory_space<vmem>>, vector<128x1xf32>
      tpu.vector_store %arg6[%swap3A, %swap3A_65], %broadcast_in_dim3A_64 {strides = array<i32>} : memref<128x1xf32, #tpu.memory_space<vmem>>, vector<128x1xf32>,
      %broadcast_in_dim3A_67 = arith.constant 0.000000e+00 : f32
      %broadcast_in_dim3A_68 = vector.broadcast %broadcast_in_dim3A_67 : f32 to vector<128x8192xf32>
      %swap3A_69 = arith.constant 0 : index
      %swap3A_70 = arith.constant 0 : index
      %swap3A_71 = vector.load %arg7[%swap3A_69, %swap3A_70] : memref<128x8192xf32, #tpu.memory_space<vmem>>, vector<128x8192xf32>
      tpu.vector_store %arg7[%swap3A_69, %swap3A_70], %broadcast_in_dim3A_68 {strides = array<i32>} : memref<128x8192xf32, #tpu.memory_space<vmem>>, vector<128x8192xf32>,
    } else {
    }
    %get3A = arith.constant 0 : index
    %get3A_2 = arith.constant 0 : index
    %get3A_3 = vector.load %arg4[%get3A, %get3A_2] : memref<128x8192xf32, #tpu.memory_space<vmem>>, vector<128x8192xf32>
    %get3A_4 = arith.constant 0 : index
    %get3A_5 = arith.constant 0 : index
    %get3A_6 = vector.load %arg6[%get3A_4, %get3A_5] : memref<128x1xf32, #tpu.memory_space<vmem>>, vector<128x1xf32>
    %iota3A = tpu.iota {dimensions = array<i32: 1>} : vector<128x8192xi32>
    %get3A_7 = arith.constant 0 : index
    %get3A_8 = arith.constant 0 : index
    %get3A_9 = vector.load %arg1[%get3A_7, %get3A_8] : memref<128x1xi32, #tpu.memory_space<vmem>>, vector<128x1xi32>
    %mul3A = arith.constant 8192 : i32
    %mul3A_10 = arith.muli %arg0, %mul3A : i32
    %sub3A = vector.broadcast %mul3A_10 : i32 to vector<128x1xi32>
    %sub3A_11 = arith.subi %get3A_9, %sub3A : vector<128x1xi32>
    %gt3A = vector.broadcast %get3A_6 : vector<128x1xf32> to vector<128x8192xf32>
    %gt3A_12 = arith.cmpf ogt, %get3A_3, %gt3A : vector<128x8192xf32>
    %eq3A_13 = vector.broadcast %get3A_6 : vector<128x1xf32> to vector<128x8192xf32>
    %eq3A_14 = arith.cmpf oeq, %get3A_3, %eq3A_13 : vector<128x8192xf32>
    %lt3A = vector.broadcast %sub3A_11 : vector<128x1xi32> to vector<128x8192xi32>
    %lt3A_15 = arith.cmpi slt, %iota3A, %lt3A : vector<128x8192xi32>
    %and3A = arith.andi %eq3A_14, %lt3A_15 : vector<128x8192xi1>
    %or3A = arith.ori %gt3A_12, %and3A : vector<128x8192xi1>
    %lt3A_16 = arith.constant 12 : i32
    %lt3A_17 = arith.cmpi slt, %arg0, %lt3A_16 : i32
    %convert_element_type3A_18 = arith.extui %lt3A_17 : i1 to i32
    %cond3A_19 = arith.constant 0 : i32
    %cond3A_20 = arith.cmpi ne, %convert_element_type3A_18, %cond3A_19 : i32
    scf.if %cond3A_20 {
      %get3A_26 = arith.constant 0 : index
      %get3A_27 = arith.constant 0 : index
      %get3A_28 = vector.load %arg7[%get3A_26, %get3A_27] : memref<128x8192xf32, #tpu.memory_space<vmem>>, vector<128x8192xf32>
      %convert_element_type3A_29 = arith.extui %or3A : vector<128x8192xi1> to vector<128x8192xi32>
      %convert_element_type3A_30 = arith.sitofp %convert_element_type3A_29 : vector<128x8192xi32> to vector<128x8192xf32>
      %add3A = arith.addf %get3A_28, %convert_element_type3A_30 : vector<128x8192xf32>
      %swap3A = arith.constant 0 : index
      %swap3A_31 = arith.constant 0 : index
      %swap3A_32 = vector.load %arg7[%swap3A, %swap3A_31] : memref<128x8192xf32, #tpu.memory_space<vmem>>, vector<128x8192xf32>
      tpu.vector_store %arg7[%swap3A, %swap3A_31], %add3A {strides = array<i32>} : memref<128x8192xf32, #tpu.memory_space<vmem>>, vector<128x8192xf32>,
    } else {
    }
    %eq3A_21 = arith.constant 12 : i32
    %eq3A_22 = arith.cmpi eq, %arg0, %eq3A_21 : i32
    %convert_element_type3A_23 = arith.extui %eq3A_22 : i1 to i32
    %cond3A_24 = arith.constant 0 : i32
    %cond3A_25 = arith.cmpi ne, %convert_element_type3A_23, %cond3A_24 : i32
    scf.if %cond3A_25 {
      %lt3A_26 = arith.constant 1696 : i32
      %lt3A_27 = vector.broadcast %lt3A_26 : i32 to vector<128x8192xi32>
      %lt3A_28 = arith.cmpi slt, %iota3A, %lt3A_27 : vector<128x8192xi32>
      %get3A_29 = arith.constant 0 : index
      %get3A_30 = arith.constant 0 : index
      %get3A_31 = vector.load %arg7[%get3A_29, %get3A_30] : memref<128x8192xf32, #tpu.memory_space<vmem>>, vector<128x8192xf32>
      %and3A_32 = arith.andi %or3A, %lt3A_28 : vector<128x8192xi1>
      %convert_element_type3A_33 = arith.extui %and3A_32 : vector<128x8192xi1> to vector<128x8192xi32>
      %convert_element_type3A_34 = arith.sitofp %convert_element_type3A_33 : vector<128x8192xi32> to vector<128x8192xf32>
      %add3A = arith.addf %get3A_31, %convert_element_type3A_34 : vector<128x8192xf32>
      %reduce_sum3A = arith.constant dense<0.000000e+00> : vector<128xf32>
      %reduce_sum3A_35 = vector.multi_reduction <add>, %add3A, %reduce_sum3A [1] : vector<128x8192xf32> to vector<128xf32>
      %broadcast_in_dim3A = vector.shape_cast %reduce_sum3A_35 : vector<128xf32> to vector<128x1xf32>
      %lt3A_36 = arith.constant 5.000000e+00 : f32
      %lt3A_37 = vector.broadcast %lt3A_36 : f32 to vector<128x1xf32>
      %lt3A_38 = arith.cmpf olt, %broadcast_in_dim3A, %lt3A_37 : vector<128x1xf32>
      %convert_element_type3A_39 = arith.extui %lt3A_38 : vector<128x1xi1> to vector<128x1xi32>
      %convert_element_type3A_40 = arith.sitofp %convert_element_type3A_39 : vector<128x1xi32> to vector<128x1xf32>
      %reduce_sum3A_41 = arith.constant dense<0.000000e+00> : vector<1xf32>
      %reduce_sum3A_42 = vector.multi_reduction <add>, %convert_element_type3A_40, %reduce_sum3A_41 [0] : vector<128x1xf32> to vector<1xf32>
      %broadcast_in_dim3A_43 = vector.shape_cast %reduce_sum3A_42 : vector<1xf32> to vector<1x1xf32>
      %mul3A_44 = arith.constant 7.812500e-01 : f32
      %mul3A_45 = vector.broadcast %mul3A_44 : f32 to vector<1x1xf32>
      %mul3A_46 = arith.mulf %broadcast_in_dim3A_43, %mul3A_45 : vector<1x1xf32>
      %swap3A = arith.constant 0 : index
      %swap3A_47 = arith.constant 0 : index
      %swap3A_48 = vector.load %arg5[%swap3A, %swap3A_47] : memref<1x1xf32, #tpu.memory_space<vmem>>, vector<1x1xf32>
      tpu.vector_store %arg5[%swap3A, %swap3A_47], %mul3A_46 {strides = array<i32>} : memref<1x1xf32, #tpu.memory_space<vmem>>, vector<1x1xf32>,
    } else {
    }
    return
  }
  func.func @transform_0(%arg0: i32) -> (i32, i32) {
    %c0_i32 = arith.constant 0 : i32
    %c0_i32_0 = arith.constant 0 : i32
    %c0_i32_1 = arith.constant 0 : i32
    return %c0_i32, %c0_i32_0 : i32, i32
  }
  func.func @transform_1(%arg0: i32) -> (i32, i32, i32) {
    %c0_i32 = arith.constant 0 : i32
    %c0_i32_0 = arith.constant 0 : i32
    %c0_i32_1 = arith.constant 0 : i32
    %c0_i32_2 = arith.constant 0 : i32
    return %c0_i32, %c0_i32_0, %c0_i32_1 : i32, i32, i32
  }
  func.func @transform_2(%arg0: i32) -> (i32, i32) {
    %c0_i32 = arith.constant 0 : i32
    %c0_i32_0 = arith.constant 0 : i32
    %c0_i32_1 = arith.constant 0 : i32
    return %c0_i32, %c0_i32_0 : i32, i32
  }
  func.func @transform_3(%arg0: i32) -> (i32, i32) {
    %c0_i32 = arith.constant 0 : i32
    %c0_i32_0 = arith.constant 0 : i32
    return %c0_i32, %arg0 : i32, i32
  }
  func.func @transform_4(%arg0: i32) -> (i32, i32) {
    %c0_i32 = arith.constant 0 : i32
    %c0_i32_0 = arith.constant 0 : i32
    %c0_i32_1 = arith.constant 0 : i32
    return %c0_i32, %c0_i32_0 : i32, i32
  }
}

</mosaic_0001>

<sc_bundles>
// kernel: kernel.4.cloned.1.call-start
scs
__scs_entry_jumppad:
0x0: {  	(pc) =	sbr.rel $0x88, $3  }
0x1: {  	(tag) =	ssettag $0x0;
	lr =	simm.s32 $0x1  }
0x2: {  	[smem:$0x3F9F] =	sst lr;
	_ =	strace $0xD0000000  }
0x3: {  	_ = 	snop  }
0x4: {  	_ = 	snop  }
0x5: {  	_ = 	snop  }
0x6: {  	_ = 	snop  }
0x7: {  	_ = 	snop  }
__scs_overlays_trampoline_lowered:
0x8: {  	[smem:$0x3FAE] =	sst s0  }
0x9: {  	[smem:$0x3FAF] =	sst s1  }
0xa: {  	[smem:$0x3FB0] =	sst s2  }
0xb: {  	[smem:$0x3FB1] =	sst s3  }
0xc: {  	[smem:$0x3FB2] =	sst s4  }
0xd: {  	[smem:$0x3FB3] =	sst s5  }
0xe: {  	[smem:$0x3FB4] =	sst s6  }
0xf: {  	[smem:$0x3FB5] =	sst s7  }
0x10: {  	[smem:$0x3FB6] =	sst s8  }
0x11: {  	[smem:$0x3FB7] =	sst s9;
	s0 =	simm.s32 @!p0 $0x0  }
0x12: {  	s1 =	sld [smem:$0x3F9D];
	s0 =	simm.s32 @p0 $0x1  }
0x13: {  	[smem:$0x3FB8] =	sst s0;
	s0 =	simm.s32 @!p1 $0x0  }
0x14: {  	s2 =	sld [smem:$0x3F9C];
	s0 =	simm.s32 @p1 $0x1  }
0x15: {  	[smem:$0x3FB9] =	sst s0;
	s0 =	simm.s32 @!p2 $0x0  }
0x16: {  	s3 =	sld [smem:$0x3FDB];
	s0 =	simm.s32 @p2 $0x1  }
0x17: {  	s4 =	simm.s32 $0x1BF5;
	[smem:$0x3FBB] =	sst s0  }
0x18: {  	s0 =	sld [smem:$0x3F9E];
	_ =	swait.ge [sflag:s4], $0x0  }
0x19: {  	s7 =	sld [smem:$0x3F9F]  }
0x1a: {  	s8 =	sadd.s32 $0xFFFFE003, lr  }
0x1b: {  	s9 =	sadd.s32 $0xFFFFFEF7, lr;
	s5 =	simm.s32 $0xFFFFFFFF;
	p2 =	slt.u32 s8, $0xFFFFF086  }
0x1c: {  	p1 =	slt.u32 s9, $0xF7A;
	s5 =	simm.s32 @!p2 $0x0  }
0x1d: {  	s5 =	simm.s32 @p1 $0x1;
	p0 =	seq.s32 s7, s2  }
0x1e: {  	s7 =	smul.u32 @!p0 $0xF7A, s2;
	p2 =	seq.s32 @!p0 s5, $0x0  }
0x1f: {  	s9 =	smul.u32 $0xF7A, s1;
	s8 =	simm.s32 @!p0 $0x1BF5;
	p2 =	por !p2, p0  }
0x20: {  	[sflag:s8] =	ssyncset.s32 @!p0 $0xFFFFF086;
	s6 =	sadd.s32 @!p0 s3, s7;
	s7 =	simm.s32 @!p0 $0x108  }
0x21: {  	s3 =	sadd.s32 s3, s9;
	s6 =	sadd.s32 @!p0 $0x88, s6;
	s7 =	simm.s32 @p2 $0x1082  }
0x22: {  	[simem:s7], [sflag:s8] =	dma.local @!p0 [hbm:s6], $0xF7A  }
0x23: {  	s9 =	sor.u32 $0xD0000000, s2;
	s6 =	simm.s32 $0x108;
	_ =	swait.ge @!p0 [sflag:s8], $0x0  }
0x24: {  	s3 =	sadd.s32 $0x88, s3;
	s6 =	simm.s32 @!p1 $0x1082;
	[sflag:s4] =	ssyncset.s32 $0xFFFFF086  }
0x25: {  	[simem:s6], [sflag:s4] =	dma.local [hbm:s3], $0xF7A  }
0x26: {  	[smem:$0x3F9F] =	sst s1;
	(tag) =	ssettag s2;
	_ =	strace s9  }
0x27: {  	s1 =	sld [smem:$0x3FAF]  }
0x28: {  	s2 =	sld [smem:$0x3FB0]  }
0x29: {  	s4 =	sld [smem:$0x3FB2]  }
0x2a: {  	p0 =	seq.s32 s5, $0x0;
	s5 =	sld [smem:$0x3FB3]  }
0x2b: {  	s6 =	sld [smem:$0x3FB4]  }
0x2c: {  	s7 =	sld [smem:$0x3FB5]  }
0x2d: {  	s3 =	simm.s32 $0x108;
	s8 =	sld [smem:$0x3FB6]  }
0x2e: {  	s3 =	simm.s32 @!p0 $0x1082;
	s9 =	sld [smem:$0x3FB7]  }
0x2f: {  	lr =	sadd.s32 s0, s3;
	s0 =	sld [smem:$0x3FAE]  }
0x30: {  	s3 =	sld [smem:$0x3FB1]  }
0x31: {  	[smem:$0x3FBA] =	sst s10  }
0x32: {  	s10 =	sld [smem:$0x3FB8];
	_ =	sdelay $0x3  }
0x33: {  	p0 =	seq.s32 s10, $0x1;
	s10 =	sld [smem:$0x3FBA];
	_ =	sdelay $0x3  }
0x34: {  	[smem:$0x3FBA] =	sst s10  }
0x35: {  	s10 =	sld [smem:$0x3FB9];
	_ =	sdelay $0x3  }
0x36: {  	p1 =	seq.s32 s10, $0x1;
	s10 =	sld [smem:$0x3FBA];
	_ =	sdelay $0x3  }
0x37: {  	[smem:$0x3FBA] =	sst s10  }
0x38: {  	s10 =	sld [smem:$0x3FBB]  }
0x39: {  	_ = 	snop;
	(pc) =	sbr.ind lr, $3  }
0x3a: {  	_ = 	snop  }
0x3b: {  	_ = 	snop  }
0x3c: {  	p2 =	seq.s32 s10, $0x1;
	s10 =	sld [smem:$0x3FBA]  }
0x3d: {  	_ =	shalt  }
0x3e: {  	_ =	shalt  }
0x3f: {  	_ =	shalt  }
0x40: {  	_ =	shalt  }
0x41: {  	_ =	shalt  }
0x42: {  	_ =	shalt  }
0x43: {  	_ =	shalt  }
0x44: {  	_ =	shalt  }
0x45: {  	_ =	shalt  }
0x46: {  	_ =	shalt  }
0x47: {  	_ =	shalt  }
0x48: {  	_ =	shalt  }
0x49: {  	_ =	shalt  }
0x4a: {  	_ =	shalt  }
0x4b: {  	_ =	shalt  }
0x4c: {  	_ =	shalt  }
0x4d: {  	_ =	shalt  }
0x4e: {  	_ =	shalt  }
0x4f: {  	_ =	shalt  }
0x50: {  	_ =	shalt  }
0x51: {  	_ =	shalt  }
0x52: {  	_ =	shalt  }
0x53: {  	_ =	shalt  }
0x54: {  	_ =	shalt  }
0x55: {  	_ =	shalt  }
0x56: {  	_ =	shalt  }
0x57: {  	_ =	shalt  }
0x58: {  	_ =	shalt  }
0x59: {  	_ =	shalt  }
0x5a: {  	_ =	shalt  }
0x5b: {  	_ =	shalt  }
0x5c: {  	_ =	shalt  }
0x5d: {  	_ =	shalt  }
0x5e: {  	_ =	shalt  }
0x5f: {  	_ =	shalt  }
0x60: {  	_ =	shalt  }
0x61: {  	_ =	shalt  }
0x62: {  	_ =	shalt  }
0x63: {  	_ =	shalt  }
0x64: {  	_ =	shalt  }
0x65: {  	_ =	shalt  }
0x66: {  	_ =	shalt  }
0x67: {  	_ =	shalt  }
0x68: {  	_ =	shalt  }
0x69: {  	_ =	shalt  }
0x6a: {  	_ =	shalt  }
0x6b: {  	_ =	shalt  }
0x6c: {  	_ =	shalt  }
0x6d: {  	_ =	shalt  }
0x6e: {  	_ =	shalt  }
0x6f: {  	_ =	shalt  }
0x70: {  	_ =	shalt  }
0x71: {  	_ =	shalt  }
0x72: {  	_ =	shalt  }
0x73: {  	_ =	shalt  }
0x74: {  	_ =	shalt  }
0x75: {  	_ =	shalt  }
0x76: {  	_ =	shalt  }
0x77: {  	_ =	shalt  }
0x78: {  	_ =	shalt  }
0x79: {  	_ =	shalt  }
0x7a: {  	_ =	shalt  }
0x7b: {  	_ =	shalt  }
0x7c: {  	_ =	shalt  }
0x7d: {  	_ =	shalt  }
0x7e: {  	_ =	shalt  }
0x7f: {  	_ =	shalt  }
0x80: {  	_ =	shalt  }
0x81: {  	_ =	shalt  }
0x82: {  	_ =	shalt  }
0x83: {  	_ =	shalt  }
0x84: {  	_ =	shalt  }
0x85: {  	_ =	shalt  }
0x86: {  	_ =	shalt  }
0x87: {  	_ =	shalt  }
.Lfunc_end0:
.L_simem_size_0:
called_computation_lowered:
.L_overlay_start_0:
0x88: {  	s2 =	sld [smem:$0x3FD9]  }
0x89: {  	s3 =	sld [smem:$0x3FFE];
	_ =	sdelay $0x1  }
0x8a: {  	s1 =	srdreg.scid  }
0x8b: {  	s0 =	sand.u32 $0x1, s1  }
0x8c: {  	s24 =	sshll.u32 s0, $0xA;
	s2 =	sadd.s32 s3, s2  }
0x8d: {  	s2 =	sadd.s32 s2, s24  }
0x8e: {  	s4 =	simm.s32 $0x0;
	[smem:$0x3FC6] =	sst s2  }
0x8f: {  	[smem:$0xF] =	sst s4  }
0x90: {  	s25 =	sld [smem:$0x3FD0];
	(tm) =	ssettm $0x1  }
0x91: {  	s26 =	sld [smem:$0x3FFB];
	_ =	sdelay $0x3  }
0x92: {  	_ =	strace s26  }
0x93: {  	s2 =	sld [smem:$0x3FFC];
	_ =	sdelay $0x3  }
0x94: {  	_ =	strace s2  }
0x95: {  	s2 =	sld [smem:$0x3FFD];
	_ =	sdelay $0x3  }
0x96: {  	_ =	strace s2  }
0x97: {  	s28 =	simm.s32 $0x1B8B;
	_ =	strace $0x8FFFFFFF  }
0x98: {  	_ =	swait.ge [sflag:s28], $0x1  }
0x99: {  	[sflag:s28] =	ssyncset.done $0x0  }
0x9a: {  	s29 =	simm.s32 $0x1B8E;
	[sflag:s28] =	ssyncadd.s32 $0xFFFFFFFF  }
0x9b: {  	s6 =	simm.s32 $0x10;
	[smem:$0x3FD2] =	sst s29  }
0x9c: {  	s2 =	simm.s32 $0x9;
	s5 =	sld [smem:$0x3FFE];
	_ =	strace $0x80000046  }
0x9d: {  	[smem:s6], [sflag:s2] =	dma.local [hbm:s25], $0x10  }
0x9e: {  	_ =	swait.ge [sflag:s2], $0x10  }
0x9f: {  	s3 =	sshll.u32 s0, $0x6;
	[sflag:s2] =	ssyncset.done $0x0  }
0xa0: {  	s7 =	sor.u32 $0x10, s3;
	[sflag:s2] =	ssyncadd.s32 $0xFFFFFFF0  }
0xa1: {  	s4 =	sand.u32 $0x7, s4;
	s30 =	sld [smem:s7+$0x0]  }
0xa2: {  	s4 =	ssub.s32 s3, s4  }
0xa3: {  	s4 =	sadd.s32 $0x0, s4  }
0xa4: {  	s4 =	sshrl.u32 s4, $0x3  }
0xa5: {  	s4 =	smul.u32 $0xC3800, s4;
	s6 =	sshll.u32 s30, $0x3  }
0xa6: {  	s9 =	simm.s32 $0x1;
	s6 =	sand.u32 $0x7FFFFC00, s6  }
0xa7: {  	s8 =	sshll.u32 s0, $0xD;
	s7 =	sadd.s32 $0x1, s7;
	s6 =	sadd.s32 s4, s6  }
0xa8: {  	s4 =	sadd.s32 $0xA00, s5;
	s5 =	sadd.s32 s8, s5;
	s31 =	sshrl.u32 s6, $0x3  }
0xa9: {  	s5 =	sadd.s32 $0x187A00, s5;
	s6 =	simm.s32 $0x1;
	s8 =	sadd.s32 s4, s31  }
0xaa: {  	[hbm:s5], [sflag:s2] =	dma.local [hbm:s8], $0x80  }
0xab: {  	s11 =	sand.u32 $0x7, s6;
	s8 =	simm.s32 $0x2;
	s10 =	sld [smem:s7+$0x0]  }
.LBB1_1:
0xac: {  	p0 =	sne.s32 s8, $0x3F;
	s11 =	ssub.s32 s3, s11  }
0xad: {  	s11 =	sadd.s32 s11, s6;
	s6 =	smov.u32 s8  }
0xae: {  	s11 =	sshrl.u32 s11, $0x3  }
0xaf: {  	s11 =	smul.u32 $0xC3800, s11;
	s10 =	sshll.u32 s10, $0x3  }
0xb0: {  	s10 =	sand.u32 $0x7FFFFC00, s10  }
0xb1: {  	s10 =	sadd.s32 s11, s10  }
.Ltmp0:
0xb2: {  	s5 =	sadd.s32 $0x80, s5;
	s10 =	sshrl.u32 s10, $0x3;
	(pc) =	sbr.rel @p0 .LBB1_1-.Ltmp0, $3  }
0xb3: {  	s7 =	sadd.s32 $0x1, s7;
	s9 =	sadd.s32 $0x1, s9;
	s10 =	sadd.s32 s4, s10  }
0xb4: {  	[hbm:s5], [sflag:s2] =	dma.local [hbm:s10], $0x80  }
0xb5: {  	s8 =	sadd.s32 $0x1, s8;
	s11 =	sand.u32 $0x7, s9;
	s10 =	sld [smem:s7+$0x0]  }
0xb6: {  	s3 =	ssub.s32 s3, s11  }
0xb7: {  	s3 =	sadd.s32 s3, s6  }
0xb8: {  	s3 =	sshrl.u32 s3, $0x3  }
0xb9: {  	s3 =	smul.u32 $0xC3800, s3;
	s31 =	sshll.u32 s10, $0x3  }
0xba: {  	s6 =	sand.u32 $0x7FFFFC00, s31  }
0xbb: {  	s3 =	sadd.s32 s3, s6  }
0xbc: {  	s3 =	sshrl.u32 s3, $0x3  }
0xbd: {  	s5 =	sadd.s32 $0x80, s5;
	s3 =	sadd.s32 s4, s3  }
0xbe: {  	[hbm:s5], [sflag:s2] =	dma.local [hbm:s3], $0x80  }
0xbf: {  	s2 =	simm.s32 $0x9  }
0xc0: {  	_ =	swait.ge [sflag:s2], $0x80  }
0xc1: {  	s3 =	simm.s32 $0x3F;
	[sflag:s2] =	ssyncset.done $0x0  }
.LBB1_3:
0xc2: {  	p0 =	sne.s32 s3, $0x1;
	s3 =	sadd.s32 $0xFFFFFFFF, s3;
	[sflag:s2] =	ssyncadd.s32 $0xFFFFFF80  }
.Ltmp1:
0xc3: {  	(pc) =	sbr.rel @p0 .LBB1_3-.Ltmp1, $3  }
0xc4: {  	_ = 	snop  }
0xc5: {  	_ =	swait.ge [sflag:s2], $0x80  }
0xc6: {  	[sflag:s2] =	ssyncset.done $0x0  }
0xc7: {  	[sflag:s2] =	ssyncadd.s32 $0xFFFFFF80  }
0xc8: {  	_ =	strace $0x90000046  }
0xc9: {  	_ =	sfence  }
0xca: {  	s30 =	sld [smem:$0x0];
	_ =	sdelay $0x2  }
0xcb: {  	s3 =	sshll.u32 s1, $0xD;
	s31 =	sshrl.u32 s1, $0x2  }
0xcc: {  	s3 =	sand.u32 $0x4000, s3;
	s1 =	sadd.s32 s31, s30  }
0xcd: {  	s0 =	sor.u32 s3, s0;
	s1 =	sshll.u32 s1, $0x11  }
0xce: {  	s0 =	sor.u32 s1, s0  }
0xcf: {  	s0 =	sadd.s32 $0x8F2B, s0;
	(pc) =	sbr.abs _section_cstart, $3  }
0xd0: {  	[sflag:s0] =	ssyncadd.remote.s32 $0x1  }
0xd1: {  	_ =	strace $0x9FFFFFFF  }
0xd2: {  	(tm) =	ssettm $0x7FFFFFFF  }
0xd3: {  	_ =	shalt  }

</sc_bundles>
